<compile_context>
chip_gen: v7x
topology: tpu7x:2x2x1
jax: 0.10.2.dev20260603
libtpu: 0.0.44.dev20260713+nightly
codegen_flags: <defaults>
</compile_context>

<pallas_src>
import functools

import jax
import jax.numpy as jnp
from jax import lax
from jax.experimental import pallas as pl
from jax.experimental.pallas import tpu as pltpu
from jax.experimental.pallas import tpu_sc as plsc

B = 16384
N_DENSE = 13
N_SPARSE = 26
VOCAB = 100000
EMB = 32
N_CROSS = 3
OUT_DIM = 64
X_DIM = N_DENSE + N_SPARSE * EMB

_SC_CORES = 2
_SC_SUBCORES = 16
_NW = _SC_CORES * _SC_SUBCORES

_N_ROWS = B * N_SPARSE
_PER_W = _N_ROWS // _NW
_IDXW = 128
_SLICES = 8
_CHUNK = _SLICES * _IDXW
_N_CHUNKS = _PER_W // _CHUNK


def _sc_gather(table_flat, flat_idx2d):
    mesh = plsc.VectorSubcoreMesh(core_axis_name="c", subcore_axis_name="s")

    @functools.partial(
        pl.kernel,
        mesh=mesh,
        compiler_params=pltpu.CompilerParams(use_tc_tiling_on_sc=False),
        out_type=jax.ShapeDtypeStruct((_N_ROWS, EMB), jnp.float32),
        scratch_types=[
            pltpu.VMEM((_SLICES, _IDXW), jnp.int32),
            pltpu.VMEM((_CHUNK, EMB), jnp.float32),
            pltpu.SemaphoreType.DMA,
        ],
    )
    def gather_k(table_hbm, idx_hbm, out_hbm, idx_v, rows_v, sem):
        wid = lax.axis_index("s") * _SC_CORES + lax.axis_index("c")
        base = wid * _PER_W

        def chunk_body(i, carry):
            off = base + i * _CHUNK
            pltpu.sync_copy(idx_hbm.at[pl.ds(off // _IDXW, _SLICES)], idx_v)
            for j in range(_SLICES):
                pltpu.async_copy(
                    table_hbm.at[idx_v.at[j]],
                    rows_v.at[pl.ds(j * _IDXW, _IDXW)], sem)
            for j in range(_SLICES):
                pltpu.make_async_copy(
                    table_hbm.at[idx_v.at[j]],
                    rows_v.at[pl.ds(j * _IDXW, _IDXW)], sem).wait()
            pltpu.sync_copy(rows_v, out_hbm.at[pl.ds(off, _CHUNK)])
            return carry

        lax.fori_loop(0, _N_CHUNKS, chunk_body, 0)

    return gather_k(table_flat, flat_idx2d)


_BT = 2048


def _dcn_block(inp_ref, emb_ref, cw_ref, b1_ref, w1_ref, w2_ref, b2_ref,
               w3_ref, b3_ref, wo_ref, sc_ref, out_ref):
    x = jnp.concatenate([inp_ref[:, :N_DENSE], emb_ref[...]], axis=1)

    h = jnp.maximum(
        jnp.dot(x, w1_ref[...], preferred_element_type=jnp.float32)
        + b1_ref[...], 0.0)
    h = jnp.maximum(
        jnp.dot(h, w2_ref[...], preferred_element_type=jnp.float32)
        + b2_ref[...], 0.0)
    dnn = jnp.maximum(
        jnp.dot(h, w3_ref[...], preferred_element_type=jnp.float32)
        + b3_ref[...], 0.0)

    xl = x
    for i in range(N_CROSS):
        alpha = jnp.dot(xl, cw_ref[:, i:i + 1],
                        preferred_element_type=jnp.float32)
        xl = (x * alpha + sc_ref[:, i:i + 1]) + xl

    cat = jnp.concatenate([xl, dnn], axis=1)
    logit = jnp.dot(cat, wo_ref[...],
                    preferred_element_type=jnp.float32) + sc_ref[:, 3:4]
    out_ref[...] = jax.nn.sigmoid(logit)


def _tc_dcn(inputs, emb, cw, b1, w1, w2, b2, w3, b3, wo, sc,
            interpret=False):
    grid = (B // _BT,)

    def full(shape):
        return pl.BlockSpec(shape, lambda i: tuple(0 for _ in shape))

    return pl.pallas_call(
        _dcn_block,
        grid=grid,
        in_specs=[
            pl.BlockSpec((_BT, N_DENSE + N_SPARSE), lambda i: (i, 0)),
            pl.BlockSpec((_BT, N_SPARSE * EMB), lambda i: (i, 0)),
            full(cw.shape),
            full(b1.shape),
            full(w1.shape),
            full(w2.shape),
            full(b2.shape),
            full(w3.shape),
            full(b3.shape),
            full(wo.shape),
            full(sc.shape),
        ],
        out_specs=pl.BlockSpec((_BT, 1), lambda i: (i, 0)),
        out_shape=jax.ShapeDtypeStruct((B, 1), jnp.float32),
        interpret=interpret,
    )(inputs, emb, cw, b1, w1, w2, b2, w3, b3, wo, sc)


def kernel(inputs, embed_tables, cross_w, cross_b, W1, b1, W2, b2, W3, b3,
           Wo, bo):
    idx = inputs[:, N_DENSE:].astype(jnp.int32)
    flat_idx = (idx + jnp.arange(N_SPARSE, dtype=jnp.int32)[None, :]
                * VOCAB).reshape(_N_ROWS // _IDXW, _IDXW)
    table_flat = embed_tables.reshape(N_SPARSE * VOCAB, EMB)

    emb = _sc_gather(table_flat, flat_idx).reshape(B, N_SPARSE * EMB)

    cw = jnp.concatenate([cross_w[0], cross_w[1], cross_w[2]], axis=1)
    sc = jnp.concatenate([cross_b.reshape(-1), bo.reshape(-1)]).reshape(1, 4)
    return _tc_dcn(inputs, emb, cw, b1.reshape(1, -1), W1,
                   W2, b2.reshape(1, -1), W3, b3.reshape(1, -1), Wo, sc)

# --- scband reference (transcript-rebuilt; emitter-appended) ---
"""Pipeline reference for scband-dcn-17858474017264 (READ-ONLY COPY).

The authoritative reference and input builder live on the scoring server;
editing this copy changes nothing except your own understanding.
"""

import jax, jax.numpy as jnp
import numpy as np

B = 16384
N_DENSE = 13
N_SPARSE = 26
VOCAB = 100000
EMB = 32
N_CROSS = 3
OUT_DIM = 64
X_DIM = N_DENSE + N_SPARSE * EMB  # 845


def setup_inputs(seed: int = 0) -> dict:
    key = jax.random.key(seed)
    ks = jax.random.split(key, 12)
    inputs = jax.random.randint(ks[0], (B, N_DENSE + N_SPARSE), 0, VOCAB).astype(jnp.float32)
    embed_tables = jax.random.normal(ks[1], (N_SPARSE, VOCAB, EMB), dtype=jnp.float32) * 0.01
    cross_w = jax.random.normal(ks[2], (N_CROSS, X_DIM, 1), dtype=jnp.float32) * 0.01
    cross_b = jnp.zeros((N_CROSS, 1), dtype=jnp.float32)
    W1 = jax.random.normal(ks[3], (X_DIM, 256), dtype=jnp.float32) * 0.02
    b1 = jnp.zeros((256,), dtype=jnp.float32)
    W2 = jax.random.normal(ks[4], (256, 128), dtype=jnp.float32) * 0.02
    b2 = jnp.zeros((128,), dtype=jnp.float32)
    W3 = jax.random.normal(ks[5], (128, OUT_DIM), dtype=jnp.float32) * 0.02
    b3 = jnp.zeros((OUT_DIM,), dtype=jnp.float32)
    Wo = jax.random.normal(ks[6], (X_DIM + OUT_DIM, 1), dtype=jnp.float32) * 0.02
    bo = jnp.zeros((1,), dtype=jnp.float32)
    return {"inputs": inputs, "embed_tables": embed_tables, "cross_w": cross_w,
            "cross_b": cross_b, "W1": W1, "b1": b1, "W2": W2, "b2": b2,
            "W3": W3, "b3": b3, "Wo": Wo, "bo": bo}


def reference(inputs, embed_tables, cross_w, cross_b, W1, b1, W2, b2, W3, b3, Wo, bo):
    dense_input = inputs[:, :N_DENSE]
    idx = jax.lax.stop_gradient(inputs[:, N_DENSE:]).astype(jnp.int32)
    sparse_embed = [jnp.take(embed_tables[i], idx[:, i], axis=0) for i in range(N_SPARSE)]
    x = jnp.concatenate([dense_input] + sparse_embed, axis=1)  # [B, X_DIM]
    # Cross part
    x0 = x[:, :, None]  # [B, X_DIM, 1]
    xl = x0
    for i in range(N_CROSS):
        xl_w = jnp.matmul(jnp.transpose(xl, (0, 2, 1)), cross_w[i])  # [B, 1, 1]
        xl = jnp.matmul(x0, xl_w) + cross_b[i] + xl
    cross_output = jnp.squeeze(xl, axis=2)  # [B, X_DIM]
    # Deep part (hidden_units=[256,128], final Dense(OUT_DIM, relu))
    h = jax.nn.relu(x @ W1 + b1)
    h = jax.nn.relu(h @ W2 + b2)
    dnn_output = jax.nn.relu(h @ W3 + b3)  # [B, OUT_DIM]
    out = jnp.concatenate([cross_output, dnn_output], axis=1)  # [B, X_DIM+OUT_DIM]
    return jax.nn.sigmoid(out @ Wo + bo)  # [B, 1]

if __name__ == "__main__":
    import jax
    _d = setup_inputs()
    print(jax.jit(kernel)(*tuple(_d.values())))

</pallas_src>

<mosaic_0001>
#map = affine_map<(d0, d1) -> (0, 0)>
module attributes {stable_mosaic.version = 14 : i64} {
  func.func @gather_k(%arg0: i32, %arg1: i32, %arg2: memref<2600000x32xf32, #tpu.memory_space<hbm>>, %arg3: memref<3328x128xi32, #tpu.memory_space<hbm>>, %arg4: memref<425984x32xf32, #tpu.memory_space<hbm>>, %arg5: memref<8x128xi32, #tpu.memory_space<vmem>>, %arg6: memref<1024x32xf32, #tpu.memory_space<vmem>>, %arg7: memref<!tpu.dma_semaphore, #tpu.memory_space<semaphore_mem>>) attributes {dimension_semantics = [#tpu.dimension_semantics<core_parallel>, #tpu.dimension_semantics<subcore_parallel>], iteration_bounds = array<i64: 2, 16>, scalar_prefetch = 0 : i64, scratch_operands = 3 : i64, tpu.core_type = #tpu.core_type<sc_vector_subcore>, window_params = [{transform_indices = #map}, {transform_indices = #map}, {transform_indices = #map}]} {
    %mul3A = arith.constant 2 : i32
    %mul3A_0 = arith.muli %arg1, %mul3A : i32
    %add3A = arith.addi %mul3A_0, %arg0 : i32
    %mul3A_1 = arith.constant 13312 : i32
    %mul3A_2 = arith.muli %add3A, %mul3A_1 : i32
    %scan3A = arith.constant 0 : i32
    %scan3A_3 = arith.constant 0 : i32
    %scan3A_4 = arith.constant 13 : i32
    %scan3A_5 = arith.addi %scan3A_3, %scan3A_4 : i32
    %scan3A_6 = arith.constant 1 : i32
    scf.for %scan3A_8 = %scan3A_3 to %scan3A_5 step %scan3A_6  : i32 {
      %mul3A_9 = arith.constant 1024 : i32
      %mul3A_10 = arith.muli %scan3A_8, %mul3A_9 : i32
      %add3A_11 = arith.addi %mul3A_2, %mul3A_10 : i32
      %jit3A = arith.constant 128 : i32
      %div3A = arith.divsi %add3A_11, %jit3A : i32
      %sign3A = arith.constant 0 : i32
      %sign3A_12 = arith.cmpi sgt, %add3A_11, %sign3A : i32
      %sign3A_13 = arith.extui %sign3A_12 : i1 to i32
      %sign3A_14 = arith.constant 0 : i32
      %sign3A_15 = arith.cmpi slt, %add3A_11, %sign3A_14 : i32
      %sign3A_16 = arith.extui %sign3A_15 : i1 to i32
      %sign3A_17 = arith.subi %sign3A_13, %sign3A_16 : i32
      %sign3A_18 = arith.constant 0 : i32
      %sign3A_19 = arith.cmpi sgt, %jit3A, %sign3A_18 : i32
      %sign3A_20 = arith.extui %sign3A_19 : i1 to i32
      %sign3A_21 = arith.constant 0 : i32
      %sign3A_22 = arith.cmpi slt, %jit3A, %sign3A_21 : i32
      %sign3A_23 = arith.extui %sign3A_22 : i1 to i32
      %sign3A_24 = arith.subi %sign3A_20, %sign3A_23 : i32
      %ne3A = arith.cmpi ne, %sign3A_17, %sign3A_24 : i32
      %rem3A = arith.remsi %add3A_11, %jit3A : i32
      %ne3A_25 = arith.constant 0 : i32
      %ne3A_26 = arith.cmpi ne, %rem3A, %ne3A_25 : i32
      %and3A = arith.andi %ne3A, %ne3A_26 : i1
      %sub3A = arith.constant 1 : i32
      %sub3A_27 = arith.subi %div3A, %sub3A : i32
      %select_n3A = arith.select %and3A, %sub3A_27, %div3A : i32
      "tpu.region"() ({
        %run_scoped3A = tpu.sem_alloc : memref<!tpu.dma_semaphore, #tpu.memory_space<semaphore_mem>>
        %dma_start3A_186 = arith.constant 0 : i32
        %dma_start3A_187 = tpu.memref_slice %arg3[%select_n3A, %dma_start3A_186] : memref<3328x128xi32, #tpu.memory_space<hbm>> -> memref<8x128xi32, #tpu.memory_space<hbm>>
        %dma_start3A_188 = arith.constant 0 : i32
        %dma_start3A_189 = tpu.memref_slice %arg3[%select_n3A, %dma_start3A_188] : memref<3328x128xi32, #tpu.memory_space<hbm>> -> memref<8x128xi32, #tpu.memory_space<hbm>>
        tpu.enqueue_dma source(%dma_start3A_189 : memref<8x128xi32, #tpu.memory_space<hbm>>) target(%arg5 : memref<8x128xi32, #tpu.memory_space<vmem>>) target_semaphore(%run_scoped3A : memref<!tpu.dma_semaphore, #tpu.memory_space<semaphore_mem>>)
        %dma_wait3A_190 = arith.constant 0 : i32
        %dma_wait3A_191 = tpu.memref_slice %arg3[%select_n3A, %dma_wait3A_190] : memref<3328x128xi32, #tpu.memory_space<hbm>> -> memref<8x128xi32, #tpu.memory_space<hbm>>
        %dma_wait3A_192 = arith.constant 0 : i32
        %dma_wait3A_193 = tpu.memref_slice %arg3[%select_n3A, %dma_wait3A_192] : memref<3328x128xi32, #tpu.memory_space<hbm>> -> memref<8x128xi32, #tpu.memory_space<hbm>>
        tpu.wait_dma2 semaphore(%run_scoped3A : memref<!tpu.dma_semaphore, #tpu.memory_space<semaphore_mem>>) src(%dma_wait3A_193 : memref<8x128xi32, #tpu.memory_space<hbm>>) dst(%arg5 : memref<8x128xi32, #tpu.memory_space<vmem>>)
        tpu.yield
      }) : () -> ()
      %dma_start3A = arith.constant 0 : i32
      %dma_start3A_28 = arith.constant 0 : i32
      %dma_start3A_29 = arith.constant 0 : i32
      %dma_start3A_30 = tpu.memref_slice %arg6[%dma_start3A_28, %dma_start3A_29] : memref<1024x32xf32, #tpu.memory_space<vmem>> -> memref<128x32xf32, #tpu.memory_space<vmem>>
      %dma_start3A_31 = arith.constant 0 : i32
      %dma_start3A_32 = tpu.memref_slice %arg5[%dma_start3A, %dma_start3A_31] : memref<8x128xi32, #tpu.memory_space<vmem>> -> memref<1x128xi32, #tpu.memory_space<vmem>>
      %dma_start3A_33 = tpu.memref_squeeze %dma_start3A_32 : memref<1x128xi32, #tpu.memory_space<vmem>> -> memref<128xi32, #tpu.memory_space<vmem>>
      %dma_start3A_34 = arith.constant 0 : i32
      %dma_start3A_35 = arith.constant 0 : i32
      %dma_start3A_36 = tpu.memref_slice %arg2[%dma_start3A_34, %dma_start3A_35] : memref<2600000x32xf32, #tpu.memory_space<hbm>> -> memref<2600000x32xf32, #tpu.memory_space<hbm>>
      tpu.enqueue_indirect_dma source(%dma_start3A_36 : memref<2600000x32xf32, #tpu.memory_space<hbm>>) target(%dma_start3A_30 : memref<128x32xf32, #tpu.memory_space<vmem>>) offsets(%dma_start3A_33 : memref<128xi32, #tpu.memory_space<vmem>>) semaphore(%arg7 : memref<!tpu.dma_semaphore, #tpu.memory_space<semaphore_mem>>)
      %dma_start3A_37 = arith.constant 1 : i32
      %dma_start3A_38 = arith.constant 128 : i32
      %dma_start3A_39 = arith.constant 0 : i32
      %dma_start3A_40 = tpu.memref_slice %arg6[%dma_start3A_38, %dma_start3A_39] : memref<1024x32xf32, #tpu.memory_space<vmem>> -> memref<128x32xf32, #tpu.memory_space<vmem>>
      %dma_start3A_41 = arith.constant 0 : i32
      %dma_start3A_42 = tpu.memref_slice %arg5[%dma_start3A_37, %dma_start3A_41] : memref<8x128xi32, #tpu.memory_space<vmem>> -> memref<1x128xi32, #tpu.memory_space<vmem>>
      %dma_start3A_43 = tpu.memref_squeeze %dma_start3A_42 : memref<1x128xi32, #tpu.memory_space<vmem>> -> memref<128xi32, #tpu.memory_space<vmem>>
      %dma_start3A_44 = arith.constant 0 : i32
      %dma_start3A_45 = arith.constant 0 : i32
      %dma_start3A_46 = tpu.memref_slice %arg2[%dma_start3A_44, %dma_start3A_45] : memref<2600000x32xf32, #tpu.memory_space<hbm>> -> memref<2600000x32xf32, #tpu.memory_space<hbm>>
      tpu.enqueue_indirect_dma source(%dma_start3A_46 : memref<2600000x32xf32, #tpu.memory_space<hbm>>) target(%dma_start3A_40 : memref<128x32xf32, #tpu.memory_space<vmem>>) offsets(%dma_start3A_43 : memref<128xi32, #tpu.memory_space<vmem>>) semaphore(%arg7 : memref<!tpu.dma_semaphore, #tpu.memory_space<semaphore_mem>>)
      %dma_start3A_47 = arith.constant 2 : i32
      %dma_start3A_48 = arith.constant 256 : i32
      %dma_start3A_49 = arith.constant 0 : i32
      %dma_start3A_50 = tpu.memref_slice %arg6[%dma_start3A_48, %dma_start3A_49] : memref<1024x32xf32, #tpu.memory_space<vmem>> -> memref<128x32xf32, #tpu.memory_space<vmem>>
      %dma_start3A_51 = arith.constant 0 : i32
      %dma_start3A_52 = tpu.memref_slice %arg5[%dma_start3A_47, %dma_start3A_51] : memref<8x128xi32, #tpu.memory_space<vmem>> -> memref<1x128xi32, #tpu.memory_space<vmem>>
      %dma_start3A_53 = tpu.memref_squeeze %dma_start3A_52 : memref<1x128xi32, #tpu.memory_space<vmem>> -> memref<128xi32, #tpu.memory_space<vmem>>
      %dma_start3A_54 = arith.constant 0 : i32
      %dma_start3A_55 = arith.constant 0 : i32
      %dma_start3A_56 = tpu.memref_slice %arg2[%dma_start3A_54, %dma_start3A_55] : memref<2600000x32xf32, #tpu.memory_space<hbm>> -> memref<2600000x32xf32, #tpu.memory_space<hbm>>
      tpu.enqueue_indirect_dma source(%dma_start3A_56 : memref<2600000x32xf32, #tpu.memory_space<hbm>>) target(%dma_start3A_50 : memref<128x32xf32, #tpu.memory_space<vmem>>) offsets(%dma_start3A_53 : memref<128xi32, #tpu.memory_space<vmem>>) semaphore(%arg7 : memref<!tpu.dma_semaphore, #tpu.memory_space<semaphore_mem>>)
      %dma_start3A_57 = arith.constant 3 : i32
      %dma_start3A_58 = arith.constant 384 : i32
      %dma_start3A_59 = arith.constant 0 : i32
      %dma_start3A_60 = tpu.memref_slice %arg6[%dma_start3A_58, %dma_start3A_59] : memref<1024x32xf32, #tpu.memory_space<vmem>> -> memref<128x32xf32, #tpu.memory_space<vmem>>
      %dma_start3A_61 = arith.constant 0 : i32
      %dma_start3A_62 = tpu.memref_slice %arg5[%dma_start3A_57, %dma_start3A_61] : memref<8x128xi32, #tpu.memory_space<vmem>> -> memref<1x128xi32, #tpu.memory_space<vmem>>
      %dma_start3A_63 = tpu.memref_squeeze %dma_start3A_62 : memref<1x128xi32, #tpu.memory_space<vmem>> -> memref<128xi32, #tpu.memory_space<vmem>>
      %dma_start3A_64 = arith.constant 0 : i32
      %dma_start3A_65 = arith.constant 0 : i32
      %dma_start3A_66 = tpu.memref_slice %arg2[%dma_start3A_64, %dma_start3A_65] : memref<2600000x32xf32, #tpu.memory_space<hbm>> -> memref<2600000x32xf32, #tpu.memory_space<hbm>>
      tpu.enqueue_indirect_dma source(%dma_start3A_66 : memref<2600000x32xf32, #tpu.memory_space<hbm>>) target(%dma_start3A_60 : memref<128x32xf32, #tpu.memory_space<vmem>>) offsets(%dma_start3A_63 : memref<128xi32, #tpu.memory_space<vmem>>) semaphore(%arg7 : memref<!tpu.dma_semaphore, #tpu.memory_space<semaphore_mem>>)
      %dma_start3A_67 = arith.constant 4 : i32
      %dma_start3A_68 = arith.constant 512 : i32
      %dma_start3A_69 = arith.constant 0 : i32
      %dma_start3A_70 = tpu.memref_slice %arg6[%dma_start3A_68, %dma_start3A_69] : memref<1024x32xf32, #tpu.memory_space<vmem>> -> memref<128x32xf32, #tpu.memory_space<vmem>>
      %dma_start3A_71 = arith.constant 0 : i32
      %dma_start3A_72 = tpu.memref_slice %arg5[%dma_start3A_67, %dma_start3A_71] : memref<8x128xi32, #tpu.memory_space<vmem>> -> memref<1x128xi32, #tpu.memory_space<vmem>>
      %dma_start3A_73 = tpu.memref_squeeze %dma_start3A_72 : memref<1x128xi32, #tpu.memory_space<vmem>> -> memref<128xi32, #tpu.memory_space<vmem>>
      %dma_start3A_74 = arith.constant 0 : i32
      %dma_start3A_75 = arith.constant 0 : i32
      %dma_start3A_76 = tpu.memref_slice %arg2[%dma_start3A_74, %dma_start3A_75] : memref<2600000x32xf32, #tpu.memory_space<hbm>> -> memref<2600000x32xf32, #tpu.memory_space<hbm>>
      tpu.enqueue_indirect_dma source(%dma_start3A_76 : memref<2600000x32xf32, #tpu.memory_space<hbm>>) target(%dma_start3A_70 : memref<128x32xf32, #tpu.memory_space<vmem>>) offsets(%dma_start3A_73 : memref<128xi32, #tpu.memory_space<vmem>>) semaphore(%arg7 : memref<!tpu.dma_semaphore, #tpu.memory_space<semaphore_mem>>)
      %dma_start3A_77 = arith.constant 5 : i32
      %dma_start3A_78 = arith.constant 640 : i32
      %dma_start3A_79 = arith.constant 0 : i32
      %dma_start3A_80 = tpu.memref_slice %arg6[%dma_start3A_78, %dma_start3A_79] : memref<1024x32xf32, #tpu.memory_space<vmem>> -> memref<128x32xf32, #tpu.memory_space<vmem>>
      %dma_start3A_81 = arith.constant 0 : i32
      %dma_start3A_82 = tpu.memref_slice %arg5[%dma_start3A_77, %dma_start3A_81] : memref<8x128xi32, #tpu.memory_space<vmem>> -> memref<1x128xi32, #tpu.memory_space<vmem>>
      %dma_start3A_83 = tpu.memref_squeeze %dma_start3A_82 : memref<1x128xi32, #tpu.memory_space<vmem>> -> memref<128xi32, #tpu.memory_space<vmem>>
      %dma_start3A_84 = arith.constant 0 : i32
      %dma_start3A_85 = arith.constant 0 : i32
      %dma_start3A_86 = tpu.memref_slice %arg2[%dma_start3A_84, %dma_start3A_85] : memref<2600000x32xf32, #tpu.memory_space<hbm>> -> memref<2600000x32xf32, #tpu.memory_space<hbm>>
      tpu.enqueue_indirect_dma source(%dma_start3A_86 : memref<2600000x32xf32, #tpu.memory_space<hbm>>) target(%dma_start3A_80 : memref<128x32xf32, #tpu.memory_space<vmem>>) offsets(%dma_start3A_83 : memref<128xi32, #tpu.memory_space<vmem>>) semaphore(%arg7 : memref<!tpu.dma_semaphore, #tpu.memory_space<semaphore_mem>>)
      %dma_start3A_87 = arith.constant 6 : i32
      %dma_start3A_88 = arith.constant 768 : i32
      %dma_start3A_89 = arith.constant 0 : i32
      %dma_start3A_90 = tpu.memref_slice %arg6[%dma_start3A_88, %dma_start3A_89] : memref<1024x32xf32, #tpu.memory_space<vmem>> -> memref<128x32xf32, #tpu.memory_space<vmem>>
      %dma_start3A_91 = arith.constant 0 : i32
      %dma_start3A_92 = tpu.memref_slice %arg5[%dma_start3A_87, %dma_start3A_91] : memref<8x128xi32, #tpu.memory_space<vmem>> -> memref<1x128xi32, #tpu.memory_space<vmem>>
      %dma_start3A_93 = tpu.memref_squeeze %dma_start3A_92 : memref<1x128xi32, #tpu.memory_space<vmem>> -> memref<128xi32, #tpu.memory_space<vmem>>
      %dma_start3A_94 = arith.constant 0 : i32
      %dma_start3A_95 = arith.constant 0 : i32
      %dma_start3A_96 = tpu.memref_slice %arg2[%dma_start3A_94, %dma_start3A_95] : memref<2600000x32xf32, #tpu.memory_space<hbm>> -> memref<2600000x32xf32, #tpu.memory_space<hbm>>
      tpu.enqueue_indirect_dma source(%dma_start3A_96 : memref<2600000x32xf32, #tpu.memory_space<hbm>>) target(%dma_start3A_90 : memref<128x32xf32, #tpu.memory_space<vmem>>) offsets(%dma_start3A_93 : memref<128xi32, #tpu.memory_space<vmem>>) semaphore(%arg7 : memref<!tpu.dma_semaphore, #tpu.memory_space<semaphore_mem>>)
      %dma_start3A_97 = arith.constant 7 : i32
      %dma_start3A_98 = arith.constant 896 : i32
      %dma_start3A_99 = arith.constant 0 : i32
      %dma_start3A_100 = tpu.memref_slice %arg6[%dma_start3A_98, %dma_start3A_99] : memref<1024x32xf32, #tpu.memory_space<vmem>> -> memref<128x32xf32, #tpu.memory_space<vmem>>
      %dma_start3A_101 = arith.constant 0 : i32
      %dma_start3A_102 = tpu.memref_slice %arg5[%dma_start3A_97, %dma_start3A_101] : memref<8x128xi32, #tpu.memory_space<vmem>> -> memref<1x128xi32, #tpu.memory_space<vmem>>
      %dma_start3A_103 = tpu.memref_squeeze %dma_start3A_102 : memref<1x128xi32, #tpu.memory_space<vmem>> -> memref<128xi32, #tpu.memory_space<vmem>>
      %dma_start3A_104 = arith.constant 0 : i32
      %dma_start3A_105 = arith.constant 0 : i32
      %dma_start3A_106 = tpu.memref_slice %arg2[%dma_start3A_104, %dma_start3A_105] : memref<2600000x32xf32, #tpu.memory_space<hbm>> -> memref<2600000x32xf32, #tpu.memory_space<hbm>>
      tpu.enqueue_indirect_dma source(%dma_start3A_106 : memref<2600000x32xf32, #tpu.memory_space<hbm>>) target(%dma_start3A_100 : memref<128x32xf32, #tpu.memory_space<vmem>>) offsets(%dma_start3A_103 : memref<128xi32, #tpu.memory_space<vmem>>) semaphore(%arg7 : memref<!tpu.dma_semaphore, #tpu.memory_space<semaphore_mem>>)
      %dma_wait3A = arith.constant 0 : i32
      %dma_wait3A_107 = arith.constant 0 : i32
      %dma_wait3A_108 = arith.constant 0 : i32
      %dma_wait3A_109 = tpu.memref_slice %arg6[%dma_wait3A_107, %dma_wait3A_108] : memref<1024x32xf32, #tpu.memory_space<vmem>> -> memref<128x32xf32, #tpu.memory_space<vmem>>
      %dma_wait3A_110 = arith.constant 0 : i32
      %dma_wait3A_111 = tpu.memref_slice %arg5[%dma_wait3A, %dma_wait3A_110] : memref<8x128xi32, #tpu.memory_space<vmem>> -> memref<1x128xi32, #tpu.memory_space<vmem>>
      %dma_wait3A_112 = tpu.memref_squeeze %dma_wait3A_111 : memref<1x128xi32, #tpu.memory_space<vmem>> -> memref<128xi32, #tpu.memory_space<vmem>>
      %dma_wait3A_113 = arith.constant 0 : i32
      %dma_wait3A_114 = arith.constant 0 : i32
      %dma_wait3A_115 = tpu.memref_slice %arg2[%dma_wait3A_113, %dma_wait3A_114] : memref<2600000x32xf32, #tpu.memory_space<hbm>> -> memref<2600000x32xf32, #tpu.memory_space<hbm>>
      tpu.wait_indirect_dma semaphore(%arg7 : memref<!tpu.dma_semaphore, #tpu.memory_space<semaphore_mem>>) src(%dma_wait3A_115 : memref<2600000x32xf32, #tpu.memory_space<hbm>>) dst(%dma_wait3A_109 : memref<128x32xf32, #tpu.memory_space<vmem>>)
      %dma_wait3A_116 = arith.constant 1 : i32
      %dma_wait3A_117 = arith.constant 128 : i32
      %dma_wait3A_118 = arith.constant 0 : i32
      %dma_wait3A_119 = tpu.memref_slice %arg6[%dma_wait3A_117, %dma_wait3A_118] : memref<1024x32xf32, #tpu.memory_space<vmem>> -> memref<128x32xf32, #tpu.memory_space<vmem>>
      %dma_wait3A_120 = arith.constant 0 : i32
      %dma_wait3A_121 = tpu.memref_slice %arg5[%dma_wait3A_116, %dma_wait3A_120] : memref<8x128xi32, #tpu.memory_space<vmem>> -> memref<1x128xi32, #tpu.memory_space<vmem>>
      %dma_wait3A_122 = tpu.memref_squeeze %dma_wait3A_121 : memref<1x128xi32, #tpu.memory_space<vmem>> -> memref<128xi32, #tpu.memory_space<vmem>>
      %dma_wait3A_123 = arith.constant 0 : i32
      %dma_wait3A_124 = arith.constant 0 : i32
      %dma_wait3A_125 = tpu.memref_slice %arg2[%dma_wait3A_123, %dma_wait3A_124] : memref<2600000x32xf32, #tpu.memory_space<hbm>> -> memref<2600000x32xf32, #tpu.memory_space<hbm>>
      tpu.wait_indirect_dma semaphore(%arg7 : memref<!tpu.dma_semaphore, #tpu.memory_space<semaphore_mem>>) src(%dma_wait3A_125 : memref<2600000x32xf32, #tpu.memory_space<hbm>>) dst(%dma_wait3A_119 : memref<128x32xf32, #tpu.memory_space<vmem>>)
      %dma_wait3A_126 = arith.constant 2 : i32
      %dma_wait3A_127 = arith.constant 256 : i32
      %dma_wait3A_128 = arith.constant 0 : i32
      %dma_wait3A_129 = tpu.memref_slice %arg6[%dma_wait3A_127, %dma_wait3A_128] : memref<1024x32xf32, #tpu.memory_space<vmem>> -> memref<128x32xf32, #tpu.memory_space<vmem>>
      %dma_wait3A_130 = arith.constant 0 : i32
      %dma_wait3A_131 = tpu.memref_slice %arg5[%dma_wait3A_126, %dma_wait3A_130] : memref<8x128xi32, #tpu.memory_space<vmem>> -> memref<1x128xi32, #tpu.memory_space<vmem>>
      %dma_wait3A_132 = tpu.memref_squeeze %dma_wait3A_131 : memref<1x128xi32, #tpu.memory_space<vmem>> -> memref<128xi32, #tpu.memory_space<vmem>>
      %dma_wait3A_133 = arith.constant 0 : i32
      %dma_wait3A_134 = arith.constant 0 : i32
      %dma_wait3A_135 = tpu.memref_slice %arg2[%dma_wait3A_133, %dma_wait3A_134] : memref<2600000x32xf32, #tpu.memory_space<hbm>> -> memref<2600000x32xf32, #tpu.memory_space<hbm>>
      tpu.wait_indirect_dma semaphore(%arg7 : memref<!tpu.dma_semaphore, #tpu.memory_space<semaphore_mem>>) src(%dma_wait3A_135 : memref<2600000x32xf32, #tpu.memory_space<hbm>>) dst(%dma_wait3A_129 : memref<128x32xf32, #tpu.memory_space<vmem>>)
      %dma_wait3A_136 = arith.constant 3 : i32
      %dma_wait3A_137 = arith.constant 384 : i32
      %dma_wait3A_138 = arith.constant 0 : i32
      %dma_wait3A_139 = tpu.memref_slice %arg6[%dma_wait3A_137, %dma_wait3A_138] : memref<1024x32xf32, #tpu.memory_space<vmem>> -> memref<128x32xf32, #tpu.memory_space<vmem>>
      %dma_wait3A_140 = arith.constant 0 : i32
      %dma_wait3A_141 = tpu.memref_slice %arg5[%dma_wait3A_136, %dma_wait3A_140] : memref<8x128xi32, #tpu.memory_space<vmem>> -> memref<1x128xi32, #tpu.memory_space<vmem>>
      %dma_wait3A_142 = tpu.memref_squeeze %dma_wait3A_141 : memref<1x128xi32, #tpu.memory_space<vmem>> -> memref<128xi32, #tpu.memory_space<vmem>>
      %dma_wait3A_143 = arith.constant 0 : i32
      %dma_wait3A_144 = arith.constant 0 : i32
      %dma_wait3A_145 = tpu.memref_slice %arg2[%dma_wait3A_143, %dma_wait3A_144] : memref<2600000x32xf32, #tpu.memory_space<hbm>> -> memref<2600000x32xf32, #tpu.memory_space<hbm>>
      tpu.wait_indirect_dma semaphore(%arg7 : memref<!tpu.dma_semaphore, #tpu.memory_space<semaphore_mem>>) src(%dma_wait3A_145 : memref<2600000x32xf32, #tpu.memory_space<hbm>>) dst(%dma_wait3A_139 : memref<128x32xf32, #tpu.memory_space<vmem>>)
      %dma_wait3A_146 = arith.constant 4 : i32
      %dma_wait3A_147 = arith.constant 512 : i32
      %dma_wait3A_148 = arith.constant 0 : i32
      %dma_wait3A_149 = tpu.memref_slice %arg6[%dma_wait3A_147, %dma_wait3A_148] : memref<1024x32xf32, #tpu.memory_space<vmem>> -> memref<128x32xf32, #tpu.memory_space<vmem>>
      %dma_wait3A_150 = arith.constant 0 : i32
      %dma_wait3A_151 = tpu.memref_slice %arg5[%dma_wait3A_146, %dma_wait3A_150] : memref<8x128xi32, #tpu.memory_space<vmem>> -> memref<1x128xi32, #tpu.memory_space<vmem>>
      %dma_wait3A_152 = tpu.memref_squeeze %dma_wait3A_151 : memref<1x128xi32, #tpu.memory_space<vmem>> -> memref<128xi32, #tpu.memory_space<vmem>>
      %dma_wait3A_153 = arith.constant 0 : i32
      %dma_wait3A_154 = arith.constant 0 : i32
      %dma_wait3A_155 = tpu.memref_slice %arg2[%dma_wait3A_153, %dma_wait3A_154] : memref<2600000x32xf32, #tpu.memory_space<hbm>> -> memref<2600000x32xf32, #tpu.memory_space<hbm>>
      tpu.wait_indirect_dma semaphore(%arg7 : memref<!tpu.dma_semaphore, #tpu.memory_space<semaphore_mem>>) src(%dma_wait3A_155 : memref<2600000x32xf32, #tpu.memory_space<hbm>>) dst(%dma_wait3A_149 : memref<128x32xf32, #tpu.memory_space<vmem>>)
      %dma_wait3A_156 = arith.constant 5 : i32
      %dma_wait3A_157 = arith.constant 640 : i32
      %dma_wait3A_158 = arith.constant 0 : i32
      %dma_wait3A_159 = tpu.memref_slice %arg6[%dma_wait3A_157, %dma_wait3A_158] : memref<1024x32xf32, #tpu.memory_space<vmem>> -> memref<128x32xf32, #tpu.memory_space<vmem>>
      %dma_wait3A_160 = arith.constant 0 : i32
      %dma_wait3A_161 = tpu.memref_slice %arg5[%dma_wait3A_156, %dma_wait3A_160] : memref<8x128xi32, #tpu.memory_space<vmem>> -> memref<1x128xi32, #tpu.memory_space<vmem>>
      %dma_wait3A_162 = tpu.memref_squeeze %dma_wait3A_161 : memref<1x128xi32, #tpu.memory_space<vmem>> -> memref<128xi32, #tpu.memory_space<vmem>>
      %dma_wait3A_163 = arith.constant 0 : i32
      %dma_wait3A_164 = arith.constant 0 : i32
      %dma_wait3A_165 = tpu.memref_slice %arg2[%dma_wait3A_163, %dma_wait3A_164] : memref<2600000x32xf32, #tpu.memory_space<hbm>> -> memref<2600000x32xf32, #tpu.memory_space<hbm>>
      tpu.wait_indirect_dma semaphore(%arg7 : memref<!tpu.dma_semaphore, #tpu.memory_space<semaphore_mem>>) src(%dma_wait3A_165 : memref<2600000x32xf32, #tpu.memory_space<hbm>>) dst(%dma_wait3A_159 : memref<128x32xf32, #tpu.memory_space<vmem>>)
      %dma_wait3A_166 = arith.constant 6 : i32
      %dma_wait3A_167 = arith.constant 768 : i32
      %dma_wait3A_168 = arith.constant 0 : i32
      %dma_wait3A_169 = tpu.memref_slice %arg6[%dma_wait3A_167, %dma_wait3A_168] : memref<1024x32xf32, #tpu.memory_space<vmem>> -> memref<128x32xf32, #tpu.memory_space<vmem>>
      %dma_wait3A_170 = arith.constant 0 : i32
      %dma_wait3A_171 = tpu.memref_slice %arg5[%dma_wait3A_166, %dma_wait3A_170] : memref<8x128xi32, #tpu.memory_space<vmem>> -> memref<1x128xi32, #tpu.memory_space<vmem>>
      %dma_wait3A_172 = tpu.memref_squeeze %dma_wait3A_171 : memref<1x128xi32, #tpu.memory_space<vmem>> -> memref<128xi32, #tpu.memory_space<vmem>>
      %dma_wait3A_173 = arith.constant 0 : i32
      %dma_wait3A_174 = arith.constant 0 : i32
      %dma_wait3A_175 = tpu.memref_slice %arg2[%dma_wait3A_173, %dma_wait3A_174] : memref<2600000x32xf32, #tpu.memory_space<hbm>> -> memref<2600000x32xf32, #tpu.memory_space<hbm>>
      tpu.wait_indirect_dma semaphore(%arg7 : memref<!tpu.dma_semaphore, #tpu.memory_space<semaphore_mem>>) src(%dma_wait3A_175 : memref<2600000x32xf32, #tpu.memory_space<hbm>>) dst(%dma_wait3A_169 : memref<128x32xf32, #tpu.memory_space<vmem>>)
      %dma_wait3A_176 = arith.constant 7 : i32
      %dma_wait3A_177 = arith.constant 896 : i32
      %dma_wait3A_178 = arith.constant 0 : i32
      %dma_wait3A_179 = tpu.memref_slice %arg6[%dma_wait3A_177, %dma_wait3A_178] : memref<1024x32xf32, #tpu.memory_space<vmem>> -> memref<128x32xf32, #tpu.memory_space<vmem>>
      %dma_wait3A_180 = arith.constant 0 : i32
      %dma_wait3A_181 = tpu.memref_slice %arg5[%dma_wait3A_176, %dma_wait3A_180] : memref<8x128xi32, #tpu.memory_space<vmem>> -> memref<1x128xi32, #tpu.memory_space<vmem>>
      %dma_wait3A_182 = tpu.memref_squeeze %dma_wait3A_181 : memref<1x128xi32, #tpu.memory_space<vmem>> -> memref<128xi32, #tpu.memory_space<vmem>>
      %dma_wait3A_183 = arith.constant 0 : i32
      %dma_wait3A_184 = arith.constant 0 : i32
      %dma_wait3A_185 = tpu.memref_slice %arg2[%dma_wait3A_183, %dma_wait3A_184] : memref<2600000x32xf32, #tpu.memory_space<hbm>> -> memref<2600000x32xf32, #tpu.memory_space<hbm>>
      tpu.wait_indirect_dma semaphore(%arg7 : memref<!tpu.dma_semaphore, #tpu.memory_space<semaphore_mem>>) src(%dma_wait3A_185 : memref<2600000x32xf32, #tpu.memory_space<hbm>>) dst(%dma_wait3A_179 : memref<128x32xf32, #tpu.memory_space<vmem>>)
      "tpu.region"() ({
        %run_scoped3A = tpu.sem_alloc : memref<!tpu.dma_semaphore, #tpu.memory_space<semaphore_mem>>
        %dma_start3A_186 = arith.constant 0 : i32
        %dma_start3A_187 = tpu.memref_slice %arg4[%add3A_11, %dma_start3A_186] : memref<425984x32xf32, #tpu.memory_space<hbm>> -> memref<1024x32xf32, #tpu.memory_space<hbm>>
        %dma_start3A_188 = arith.constant 0 : i32
        %dma_start3A_189 = tpu.memref_slice %arg4[%add3A_11, %dma_start3A_188] : memref<425984x32xf32, #tpu.memory_space<hbm>> -> memref<1024x32xf32, #tpu.memory_space<hbm>>
        tpu.enqueue_dma source(%arg6 : memref<1024x32xf32, #tpu.memory_space<vmem>>) target(%dma_start3A_189 : memref<1024x32xf32, #tpu.memory_space<hbm>>) target_semaphore(%run_scoped3A : memref<!tpu.dma_semaphore, #tpu.memory_space<semaphore_mem>>)
        %dma_wait3A_190 = arith.constant 0 : i32
        %dma_wait3A_191 = tpu.memref_slice %arg4[%add3A_11, %dma_wait3A_190] : memref<425984x32xf32, #tpu.memory_space<hbm>> -> memref<1024x32xf32, #tpu.memory_space<hbm>>
        %dma_wait3A_192 = arith.constant 0 : i32
        %dma_wait3A_193 = tpu.memref_slice %arg4[%add3A_11, %dma_wait3A_192] : memref<425984x32xf32, #tpu.memory_space<hbm>> -> memref<1024x32xf32, #tpu.memory_space<hbm>>
        tpu.wait_dma2 semaphore(%run_scoped3A : memref<!tpu.dma_semaphore, #tpu.memory_space<semaphore_mem>>) src(%arg6 : memref<1024x32xf32, #tpu.memory_space<vmem>>) dst(%dma_wait3A_193 : memref<1024x32xf32, #tpu.memory_space<hbm>>)
        tpu.yield
      }) : () -> ()
    }
    %scan3A_7 = arith.constant 13 : i32
    return
  }
}

module attributes {stable_mosaic.version = 14 : i64} {
  func.func @_dcn_block(%arg0: i32, %arg1: memref<2048x39xf32, #tpu.memory_space<vmem>>, %arg2: memref<2048x832xf32, #tpu.memory_space<vmem>>, %arg3: memref<845x3xf32, #tpu.memory_space<vmem>>, %arg4: memref<1x256xf32, #tpu.memory_space<vmem>>, %arg5: memref<845x256xf32, #tpu.memory_space<vmem>>, %arg6: memref<256x128xf32, #tpu.memory_space<vmem>>, %arg7: memref<1x128xf32, #tpu.memory_space<vmem>>, %arg8: memref<128x64xf32, #tpu.memory_space<vmem>>, %arg9: memref<1x64xf32, #tpu.memory_space<vmem>>, %arg10: memref<909x1xf32, #tpu.memory_space<vmem>>, %arg11: memref<1x4xf32, #tpu.memory_space<vmem>>, %arg12: memref<2048x1xf32, #tpu.memory_space<vmem>>) attributes {dimension_semantics = [#tpu.dimension_semantics<arbitrary>], iteration_bounds = array<i64: 8>, scalar_prefetch = 0 : i64, scratch_operands = 0 : i64, tpu.core_type = #tpu.core_type<tc>, window_params = [{transform_indices = @transform_0, window_bounds = array<i64: 2048, 39>}, {transform_indices = @transform_1, window_bounds = array<i64: 2048, 832>}, {pipeline_mode = #tpu.pipeline_mode<synchronous>, transform_indices = @transform_2, window_bounds = array<i64: 845, 3>}, {pipeline_mode = #tpu.pipeline_mode<synchronous>, transform_indices = @transform_3, window_bounds = array<i64: 1, 256>}, {pipeline_mode = #tpu.pipeline_mode<synchronous>, transform_indices = @transform_4, window_bounds = array<i64: 845, 256>}, {pipeline_mode = #tpu.pipeline_mode<synchronous>, transform_indices = @transform_5, window_bounds = array<i64: 256, 128>}, {pipeline_mode = #tpu.pipeline_mode<synchronous>, transform_indices = @transform_6, window_bounds = array<i64: 1, 128>}, {pipeline_mode = #tpu.pipeline_mode<synchronous>, transform_indices = @transform_7, window_bounds = array<i64: 128, 64>}, {pipeline_mode = #tpu.pipeline_mode<synchronous>, transform_indices = @transform_8, window_bounds = array<i64: 1, 64>}, {pipeline_mode = #tpu.pipeline_mode<synchronous>, transform_indices = @transform_9, window_bounds = array<i64: 909, 1>}, {pipeline_mode = #tpu.pipeline_mode<synchronous>, transform_indices = @transform_10, window_bounds = array<i64: 1, 4>}, {transform_indices = @transform_11, window_bounds = array<i64: 2048, 1>}]} {
    %get3A = arith.constant 0 : index
    %get3A_0 = arith.constant 0 : index
    %get3A_1 = vector.load %arg1[%get3A, %get3A_0] : memref<2048x39xf32, #tpu.memory_space<vmem>>, vector<2048x13xf32>
    %get3A_2 = arith.constant 0 : index
    %get3A_3 = arith.constant 0 : index
    %get3A_4 = vector.load %arg2[%get3A_2, %get3A_3] : memref<2048x832xf32, #tpu.memory_space<vmem>>, vector<2048x832xf32>
    %concatenate3A = tpu.concatenate %get3A_1, %get3A_4 in 1 : vector<2048x13xf32>, vector<2048x832xf32> -> vector<2048x845xf32>
    %get3A_5 = arith.constant 0 : index
    %get3A_6 = arith.constant 0 : index
    %get3A_7 = vector.load %arg5[%get3A_5, %get3A_6] : memref<845x256xf32, #tpu.memory_space<vmem>>, vector<845x256xf32>
    %dot_general3A = arith.constant dense<0.000000e+00> : vector<2048x256xf32>
    %dot_general3A_8 = tpu.matmul %concatenate3A, %get3A_7, %dot_general3A {dimension_numbers = #tpu.dot_dimension_numbers<[1], [0], [0], [1], [0, 0, 1, 1], [], []>, transpose_lhs_hint = false} : vector<2048x845xf32>, vector<845x256xf32>, vector<2048x256xf32> -> vector<2048x256xf32>
    %get3A_9 = arith.constant 0 : index
    %get3A_10 = arith.constant 0 : index
    %get3A_11 = vector.load %arg4[%get3A_9, %get3A_10] : memref<1x256xf32, #tpu.memory_space<vmem>>, vector<1x256xf32>
    %add3A = vector.broadcast %get3A_11 : vector<1x256xf32> to vector<2048x256xf32>
    %add3A_12 = arith.addf %dot_general3A_8, %add3A : vector<2048x256xf32>
    %max3A = arith.constant 0.000000e+00 : f32
    %max3A_13 = vector.broadcast %max3A : f32 to vector<2048x256xf32>
    %max3A_14 = arith.maximumf %add3A_12, %max3A_13 : vector<2048x256xf32>
    %get3A_15 = arith.constant 0 : index
    %get3A_16 = arith.constant 0 : index
    %get3A_17 = vector.load %arg6[%get3A_15, %get3A_16] : memref<256x128xf32, #tpu.memory_space<vmem>>, vector<256x128xf32>
    %dot_general3A_18 = arith.constant dense<0.000000e+00> : vector<2048x128xf32>
    %dot_general3A_19 = tpu.matmul %max3A_14, %get3A_17, %dot_general3A_18 {dimension_numbers = #tpu.dot_dimension_numbers<[1], [0], [0], [1], [0, 0, 1, 1], [], []>, transpose_lhs_hint = false} : vector<2048x256xf32>, vector<256x128xf32>, vector<2048x128xf32> -> vector<2048x128xf32>
    %get3A_20 = arith.constant 0 : index
    %get3A_21 = arith.constant 0 : index
    %get3A_22 = vector.load %arg7[%get3A_20, %get3A_21] : memref<1x128xf32, #tpu.memory_space<vmem>>, vector<1x128xf32>
    %add3A_23 = vector.broadcast %get3A_22 : vector<1x128xf32> to vector<2048x128xf32>
    %add3A_24 = arith.addf %dot_general3A_19, %add3A_23 : vector<2048x128xf32>
    %max3A_25 = arith.constant 0.000000e+00 : f32
    %max3A_26 = vector.broadcast %max3A_25 : f32 to vector<2048x128xf32>
    %max3A_27 = arith.maximumf %add3A_24, %max3A_26 : vector<2048x128xf32>
    %get3A_28 = arith.constant 0 : index
    %get3A_29 = arith.constant 0 : index
    %get3A_30 = vector.load %arg8[%get3A_28, %get3A_29] : memref<128x64xf32, #tpu.memory_space<vmem>>, vector<128x64xf32>
    %dot_general3A_31 = arith.constant dense<0.000000e+00> : vector<2048x64xf32>
    %dot_general3A_32 = tpu.matmul %max3A_27, %get3A_30, %dot_general3A_31 {dimension_numbers = #tpu.dot_dimension_numbers<[1], [0], [0], [1], [0, 0, 1, 1], [], []>, transpose_lhs_hint = false} : vector<2048x128xf32>, vector<128x64xf32>, vector<2048x64xf32> -> vector<2048x64xf32>
    %get3A_33 = arith.constant 0 : index
    %get3A_34 = arith.constant 0 : index
    %get3A_35 = vector.load %arg9[%get3A_33, %get3A_34] : memref<1x64xf32, #tpu.memory_space<vmem>>, vector<1x64xf32>
    %add3A_36 = vector.broadcast %get3A_35 : vector<1x64xf32> to vector<2048x64xf32>
    %add3A_37 = arith.addf %dot_general3A_32, %add3A_36 : vector<2048x64xf32>
    %max3A_38 = arith.constant 0.000000e+00 : f32
    %max3A_39 = vector.broadcast %max3A_38 : f32 to vector<2048x64xf32>
    %max3A_40 = arith.maximumf %add3A_37, %max3A_39 : vector<2048x64xf32>
    %get3A_41 = arith.constant 0 : index
    %get3A_42 = arith.constant 0 : index
    %get3A_43 = vector.load %arg3[%get3A_41, %get3A_42] : memref<845x3xf32, #tpu.memory_space<vmem>>, vector<845x1xf32>
    %dot_general3A_44 = arith.constant dense<0.000000e+00> : vector<2048x1xf32>
    %dot_general3A_45 = tpu.matmul %concatenate3A, %get3A_43, %dot_general3A_44 {dimension_numbers = #tpu.dot_dimension_numbers<[1], [0], [0], [1], [0, 0, 1, 1], [], []>, transpose_lhs_hint = false} : vector<2048x845xf32>, vector<845x1xf32>, vector<2048x1xf32> -> vector<2048x1xf32>
    %mul3A = vector.broadcast %dot_general3A_45 : vector<2048x1xf32> to vector<2048x845xf32>
    %mul3A_46 = arith.mulf %concatenate3A, %mul3A : vector<2048x845xf32>
    %get3A_47 = arith.constant 0 : index
    %get3A_48 = arith.constant 0 : index
    %get3A_49 = vector.load %arg11[%get3A_47, %get3A_48] : memref<1x4xf32, #tpu.memory_space<vmem>>, vector<1x1xf32>
    %add3A_50 = vector.broadcast %get3A_49 : vector<1x1xf32> to vector<2048x845xf32>
    %add3A_51 = arith.addf %mul3A_46, %add3A_50 : vector<2048x845xf32>
    %add3A_52 = arith.addf %add3A_51, %concatenate3A : vector<2048x845xf32>
    %get3A_53 = arith.constant 0 : index
    %get3A_54 = arith.constant 1 : index
    %get3A_55 = vector.load %arg3[%get3A_53, %get3A_54] : memref<845x3xf32, #tpu.memory_space<vmem>>, vector<845x1xf32>
    %dot_general3A_56 = arith.constant dense<0.000000e+00> : vector<2048x1xf32>
    %dot_general3A_57 = tpu.matmul %add3A_52, %get3A_55, %dot_general3A_56 {dimension_numbers = #tpu.dot_dimension_numbers<[1], [0], [0], [1], [0, 0, 1, 1], [], []>, transpose_lhs_hint = false} : vector<2048x845xf32>, vector<845x1xf32>, vector<2048x1xf32> -> vector<2048x1xf32>
    %mul3A_58 = vector.broadcast %dot_general3A_57 : vector<2048x1xf32> to vector<2048x845xf32>
    %mul3A_59 = arith.mulf %concatenate3A, %mul3A_58 : vector<2048x845xf32>
    %get3A_60 = arith.constant 0 : index
    %get3A_61 = arith.constant 1 : index
    %get3A_62 = vector.load %arg11[%get3A_60, %get3A_61] : memref<1x4xf32, #tpu.memory_space<vmem>>, vector<1x1xf32>
    %add3A_63 = vector.broadcast %get3A_62 : vector<1x1xf32> to vector<2048x845xf32>
    %add3A_64 = arith.addf %mul3A_59, %add3A_63 : vector<2048x845xf32>
    %add3A_65 = arith.addf %add3A_64, %add3A_52 : vector<2048x845xf32>
    %get3A_66 = arith.constant 0 : index
    %get3A_67 = arith.constant 2 : index
    %get3A_68 = vector.load %arg3[%get3A_66, %get3A_67] : memref<845x3xf32, #tpu.memory_space<vmem>>, vector<845x1xf32>
    %dot_general3A_69 = arith.constant dense<0.000000e+00> : vector<2048x1xf32>
    %dot_general3A_70 = tpu.matmul %add3A_65, %get3A_68, %dot_general3A_69 {dimension_numbers = #tpu.dot_dimension_numbers<[1], [0], [0], [1], [0, 0, 1, 1], [], []>, transpose_lhs_hint = false} : vector<2048x845xf32>, vector<845x1xf32>, vector<2048x1xf32> -> vector<2048x1xf32>
    %mul3A_71 = vector.broadcast %dot_general3A_70 : vector<2048x1xf32> to vector<2048x845xf32>
    %mul3A_72 = arith.mulf %concatenate3A, %mul3A_71 : vector<2048x845xf32>
    %get3A_73 = arith.constant 0 : index
    %get3A_74 = arith.constant 2 : index
    %get3A_75 = vector.load %arg11[%get3A_73, %get3A_74] : memref<1x4xf32, #tpu.memory_space<vmem>>, vector<1x1xf32>
    %add3A_76 = vector.broadcast %get3A_75 : vector<1x1xf32> to vector<2048x845xf32>
    %add3A_77 = arith.addf %mul3A_72, %add3A_76 : vector<2048x845xf32>
    %add3A_78 = arith.addf %add3A_77, %add3A_65 : vector<2048x845xf32>
    %concatenate3A_79 = tpu.concatenate %add3A_78, %max3A_40 in 1 : vector<2048x845xf32>, vector<2048x64xf32> -> vector<2048x909xf32>
    %get3A_80 = arith.constant 0 : index
    %get3A_81 = arith.constant 0 : index
    %get3A_82 = vector.load %arg10[%get3A_80, %get3A_81] : memref<909x1xf32, #tpu.memory_space<vmem>>, vector<909x1xf32>
    %dot_general3A_83 = arith.constant dense<0.000000e+00> : vector<2048x1xf32>
    %dot_general3A_84 = tpu.matmul %concatenate3A_79, %get3A_82, %dot_general3A_83 {dimension_numbers = #tpu.dot_dimension_numbers<[1], [0], [0], [1], [0, 0, 1, 1], [], []>, transpose_lhs_hint = false} : vector<2048x909xf32>, vector<909x1xf32>, vector<2048x1xf32> -> vector<2048x1xf32>
    %get3A_85 = arith.constant 0 : index
    %get3A_86 = arith.constant 3 : index
    %get3A_87 = vector.load %arg11[%get3A_85, %get3A_86] : memref<1x4xf32, #tpu.memory_space<vmem>>, vector<1x1xf32>
    %add3A_88 = vector.broadcast %get3A_87 : vector<1x1xf32> to vector<2048x1xf32>
    %add3A_89 = arith.addf %dot_general3A_84, %add3A_88 : vector<2048x1xf32>
    %logistic3A = arith.negf %add3A_89 : vector<2048x1xf32>
    %logistic3A_90 = math.exp %logistic3A : vector<2048x1xf32>
    %logistic3A_91 = arith.constant 1.000000e+00 : f32
    %logistic3A_92 = vector.broadcast %logistic3A_91 : f32 to vector<2048x1xf32>
    %logistic3A_93 = arith.addf %logistic3A_92, %logistic3A_90 : vector<2048x1xf32>
    %logistic3A_94 = arith.divf %logistic3A_92, %logistic3A_93 : vector<2048x1xf32>
    %swap3A = arith.constant 0 : index
    %swap3A_95 = arith.constant 0 : index
    %swap3A_96 = vector.load %arg12[%swap3A, %swap3A_95] : memref<2048x1xf32, #tpu.memory_space<vmem>>, vector<2048x1xf32>
    tpu.vector_store %arg12[%swap3A, %swap3A_95], %logistic3A_94 {strides = array<i32>} : memref<2048x1xf32, #tpu.memory_space<vmem>>, vector<2048x1xf32>,
    return
  }
  func.func @transform_0(%arg0: i32) -> (i32, i32) {
    %c0_i32 = arith.constant 0 : i32
    %c0_i32_0 = arith.constant 0 : i32
    return %arg0, %c0_i32 : i32, i32
  }
  func.func @transform_1(%arg0: i32) -> (i32, i32) {
    %c0_i32 = arith.constant 0 : i32
    %c0_i32_0 = arith.constant 0 : i32
    return %arg0, %c0_i32 : i32, i32
  }
  func.func @transform_2(%arg0: i32) -> (i32, i32) {
    %c0_i32 = arith.constant 0 : i32
    %c0_i32_0 = arith.constant 0 : i32
    %c0_i32_1 = arith.constant 0 : i32
    return %c0_i32, %c0_i32_0 : i32, i32
  }
  func.func @transform_3(%arg0: i32) -> (i32, i32) {
    %c0_i32 = arith.constant 0 : i32
    %c0_i32_0 = arith.constant 0 : i32
    %c0_i32_1 = arith.constant 0 : i32
    return %c0_i32, %c0_i32_0 : i32, i32
  }
  func.func @transform_4(%arg0: i32) -> (i32, i32) {
    %c0_i32 = arith.constant 0 : i32
    %c0_i32_0 = arith.constant 0 : i32
    %c0_i32_1 = arith.constant 0 : i32
    return %c0_i32, %c0_i32_0 : i32, i32
  }
  func.func @transform_5(%arg0: i32) -> (i32, i32) {
    %c0_i32 = arith.constant 0 : i32
    %c0_i32_0 = arith.constant 0 : i32
    %c0_i32_1 = arith.constant 0 : i32
    return %c0_i32, %c0_i32_0 : i32, i32
  }
  func.func @transform_6(%arg0: i32) -> (i32, i32) {
    %c0_i32 = arith.constant 0 : i32
    %c0_i32_0 = arith.constant 0 : i32
    %c0_i32_1 = arith.constant 0 : i32
    return %c0_i32, %c0_i32_0 : i32, i32
  }
  func.func @transform_7(%arg0: i32) -> (i32, i32) {
    %c0_i32 = arith.constant 0 : i32
    %c0_i32_0 = arith.constant 0 : i32
    %c0_i32_1 = arith.constant 0 : i32
    return %c0_i32, %c0_i32_0 : i32, i32
  }
  func.func @transform_8(%arg0: i32) -> (i32, i32) {
    %c0_i32 = arith.constant 0 : i32
    %c0_i32_0 = arith.constant 0 : i32
    %c0_i32_1 = arith.constant 0 : i32
    return %c0_i32, %c0_i32_0 : i32, i32
  }
  func.func @transform_9(%arg0: i32) -> (i32, i32) {
    %c0_i32 = arith.constant 0 : i32
    %c0_i32_0 = arith.constant 0 : i32
    %c0_i32_1 = arith.constant 0 : i32
    return %c0_i32, %c0_i32_0 : i32, i32
  }
  func.func @transform_10(%arg0: i32) -> (i32, i32) {
    %c0_i32 = arith.constant 0 : i32
    %c0_i32_0 = arith.constant 0 : i32
    %c0_i32_1 = arith.constant 0 : i32
    return %c0_i32, %c0_i32_0 : i32, i32
  }
  func.func @transform_11(%arg0: i32) -> (i32, i32) {
    %c0_i32 = arith.constant 0 : i32
    %c0_i32_0 = arith.constant 0 : i32
    return %arg0, %c0_i32 : i32, i32
  }
}

</mosaic_0001>

<sc_bundles>
// kernel: kernel.4.cloned.1.call-start
scs
__scs_entry_jumppad:
0x0: {  	(pc) =	sbr.rel $0x88, $3  }
0x1: {  	(tag) =	ssettag $0x0;
	lr =	simm.s32 $0x1  }
0x2: {  	[smem:$0x3F95] =	sst lr;
	_ =	strace $0xD0000000  }
0x3: {  	_ = 	snop  }
0x4: {  	_ = 	snop  }
0x5: {  	_ = 	snop  }
0x6: {  	_ = 	snop  }
0x7: {  	_ = 	snop  }
__scs_overlays_trampoline_lowered:
0x8: {  	[smem:$0x3FA4] =	sst s0  }
0x9: {  	[smem:$0x3FA5] =	sst s1  }
0xa: {  	[smem:$0x3FA6] =	sst s2  }
0xb: {  	[smem:$0x3FA7] =	sst s3  }
0xc: {  	[smem:$0x3FA8] =	sst s4  }
0xd: {  	[smem:$0x3FA9] =	sst s5  }
0xe: {  	[smem:$0x3FAA] =	sst s6  }
0xf: {  	[smem:$0x3FAB] =	sst s7  }
0x10: {  	[smem:$0x3FAC] =	sst s8  }
0x11: {  	[smem:$0x3FAD] =	sst s9;
	s0 =	simm.s32 @!p0 $0x0  }
0x12: {  	s1 =	sld [smem:$0x3F93];
	s0 =	simm.s32 @p0 $0x1  }
0x13: {  	[smem:$0x3FAE] =	sst s0;
	s0 =	simm.s32 @!p1 $0x0  }
0x14: {  	s2 =	sld [smem:$0x3F92];
	s0 =	simm.s32 @p1 $0x1  }
0x15: {  	[smem:$0x3FAF] =	sst s0;
	s0 =	simm.s32 @!p2 $0x0  }
0x16: {  	s3 =	sld [smem:$0x3FDB];
	s0 =	simm.s32 @p2 $0x1  }
0x17: {  	s4 =	simm.s32 $0x1BF5;
	[smem:$0x3FB1] =	sst s0  }
0x18: {  	s0 =	sld [smem:$0x3F94];
	_ =	swait.ge [sflag:s4], $0x0  }
0x19: {  	s7 =	sld [smem:$0x3F95]  }
0x1a: {  	s8 =	sadd.s32 $0xFFFFE003, lr  }
0x1b: {  	s9 =	sadd.s32 $0xFFFFFEF7, lr;
	s5 =	simm.s32 $0xFFFFFFFF;
	p2 =	slt.u32 s8, $0xFFFFF086  }
0x1c: {  	p1 =	slt.u32 s9, $0xF7A;
	s5 =	simm.s32 @!p2 $0x0  }
0x1d: {  	s5 =	simm.s32 @p1 $0x1;
	p0 =	seq.s32 s7, s2  }
0x1e: {  	s7 =	smul.u32 @!p0 $0xF7A, s2;
	p2 =	seq.s32 @!p0 s5, $0x0  }
0x1f: {  	s9 =	smul.u32 $0xF7A, s1;
	s8 =	simm.s32 @!p0 $0x1BF5;
	p2 =	por !p2, p0  }
0x20: {  	[sflag:s8] =	ssyncset.s32 @!p0 $0xFFFFF086;
	s6 =	sadd.s32 @!p0 s3, s7;
	s7 =	simm.s32 @!p0 $0x108  }
0x21: {  	s3 =	sadd.s32 s3, s9;
	s6 =	sadd.s32 @!p0 $0x88, s6;
	s7 =	simm.s32 @p2 $0x1082  }
0x22: {  	[simem:s7], [sflag:s8] =	dma.local @!p0 [hbm:s6], $0xF7A  }
0x23: {  	s9 =	sor.u32 $0xD0000000, s2;
	s6 =	simm.s32 $0x108;
	_ =	swait.ge @!p0 [sflag:s8], $0x0  }
0x24: {  	s3 =	sadd.s32 $0x88, s3;
	s6 =	simm.s32 @!p1 $0x1082;
	[sflag:s4] =	ssyncset.s32 $0xFFFFF086  }
0x25: {  	[simem:s6], [sflag:s4] =	dma.local [hbm:s3], $0xF7A  }
0x26: {  	[smem:$0x3F95] =	sst s1;
	(tag) =	ssettag s2;
	_ =	strace s9  }
0x27: {  	s1 =	sld [smem:$0x3FA5]  }
0x28: {  	s2 =	sld [smem:$0x3FA6]  }
0x29: {  	s4 =	sld [smem:$0x3FA8]  }
0x2a: {  	p0 =	seq.s32 s5, $0x0;
	s5 =	sld [smem:$0x3FA9]  }
0x2b: {  	s6 =	sld [smem:$0x3FAA]  }
0x2c: {  	s7 =	sld [smem:$0x3FAB]  }
0x2d: {  	s3 =	simm.s32 $0x108;
	s8 =	sld [smem:$0x3FAC]  }
0x2e: {  	s3 =	simm.s32 @!p0 $0x1082;
	s9 =	sld [smem:$0x3FAD]  }
0x2f: {  	lr =	sadd.s32 s0, s3;
	s0 =	sld [smem:$0x3FA4]  }
0x30: {  	s3 =	sld [smem:$0x3FA7]  }
0x31: {  	[smem:$0x3FB0] =	sst s10  }
0x32: {  	s10 =	sld [smem:$0x3FAE];
	_ =	sdelay $0x3  }
0x33: {  	p0 =	seq.s32 s10, $0x1;
	s10 =	sld [smem:$0x3FB0];
	_ =	sdelay $0x3  }
0x34: {  	[smem:$0x3FB0] =	sst s10  }
0x35: {  	s10 =	sld [smem:$0x3FAF];
	_ =	sdelay $0x3  }
0x36: {  	p1 =	seq.s32 s10, $0x1;
	s10 =	sld [smem:$0x3FB0];
	_ =	sdelay $0x3  }
0x37: {  	[smem:$0x3FB0] =	sst s10  }
0x38: {  	s10 =	sld [smem:$0x3FB1]  }
0x39: {  	_ = 	snop;
	(pc) =	sbr.ind lr, $3  }
0x3a: {  	_ = 	snop  }
0x3b: {  	_ = 	snop  }
0x3c: {  	p2 =	seq.s32 s10, $0x1;
	s10 =	sld [smem:$0x3FB0]  }
0x3d: {  	_ =	shalt  }
0x3e: {  	_ =	shalt  }
0x3f: {  	_ =	shalt  }
0x40: {  	_ =	shalt  }
0x41: {  	_ =	shalt  }
0x42: {  	_ =	shalt  }
0x43: {  	_ =	shalt  }
0x44: {  	_ =	shalt  }
0x45: {  	_ =	shalt  }
0x46: {  	_ =	shalt  }
0x47: {  	_ =	shalt  }
0x48: {  	_ =	shalt  }
0x49: {  	_ =	shalt  }
0x4a: {  	_ =	shalt  }
0x4b: {  	_ =	shalt  }
0x4c: {  	_ =	shalt  }
0x4d: {  	_ =	shalt  }
0x4e: {  	_ =	shalt  }
0x4f: {  	_ =	shalt  }
0x50: {  	_ =	shalt  }
0x51: {  	_ =	shalt  }
0x52: {  	_ =	shalt  }
0x53: {  	_ =	shalt  }
0x54: {  	_ =	shalt  }
0x55: {  	_ =	shalt  }
0x56: {  	_ =	shalt  }
0x57: {  	_ =	shalt  }
0x58: {  	_ =	shalt  }
0x59: {  	_ =	shalt  }
0x5a: {  	_ =	shalt  }
0x5b: {  	_ =	shalt  }
0x5c: {  	_ =	shalt  }
0x5d: {  	_ =	shalt  }
0x5e: {  	_ =	shalt  }
0x5f: {  	_ =	shalt  }
0x60: {  	_ =	shalt  }
0x61: {  	_ =	shalt  }
0x62: {  	_ =	shalt  }
0x63: {  	_ =	shalt  }
0x64: {  	_ =	shalt  }
0x65: {  	_ =	shalt  }
0x66: {  	_ =	shalt  }
0x67: {  	_ =	shalt  }
0x68: {  	_ =	shalt  }
0x69: {  	_ =	shalt  }
0x6a: {  	_ =	shalt  }
0x6b: {  	_ =	shalt  }
0x6c: {  	_ =	shalt  }
0x6d: {  	_ =	shalt  }
0x6e: {  	_ =	shalt  }
0x6f: {  	_ =	shalt  }
0x70: {  	_ =	shalt  }
0x71: {  	_ =	shalt  }
0x72: {  	_ =	shalt  }
0x73: {  	_ =	shalt  }
0x74: {  	_ =	shalt  }
0x75: {  	_ =	shalt  }
0x76: {  	_ =	shalt  }
0x77: {  	_ =	shalt  }
0x78: {  	_ =	shalt  }
0x79: {  	_ =	shalt  }
0x7a: {  	_ =	shalt  }
0x7b: {  	_ =	shalt  }
0x7c: {  	_ =	shalt  }
0x7d: {  	_ =	shalt  }
0x7e: {  	_ =	shalt  }
0x7f: {  	_ =	shalt  }
0x80: {  	_ =	shalt  }
0x81: {  	_ =	shalt  }
0x82: {  	_ =	shalt  }
0x83: {  	_ =	shalt  }
0x84: {  	_ =	shalt  }
0x85: {  	_ =	shalt  }
0x86: {  	_ =	shalt  }
0x87: {  	_ =	shalt  }
.Lfunc_end0:
.L_simem_size_0:
called_computation_lowered:
.L_overlay_start_0:
0x88: {  	s2 =	sld [smem:$0x3FD9]  }
0x89: {  	s3 =	sld [smem:$0x3FFE];
	_ =	sdelay $0x1  }
0x8a: {  	s1 =	srdreg.scid  }
0x8b: {  	s0 =	sand.u32 $0x1, s1  }
0x8c: {  	s16 =	sshll.u32 s0, $0xA;
	s2 =	sadd.s32 s3, s2  }
0x8d: {  	s2 =	sadd.s32 s2, s16  }
0x8e: {  	[smem:$0x3FBC] =	sst s2  }
0x8f: {  	_ = 	snop  }
0x90: {  	(tm) =	ssettm $0x1  }
0x91: {  	s17 =	sld [smem:$0x3FFB];
	_ =	sdelay $0x3  }
0x92: {  	_ =	strace s17  }
0x93: {  	s2 =	sld [smem:$0x3FFC];
	_ =	sdelay $0x3  }
0x94: {  	_ =	strace s2  }
0x95: {  	s2 =	sld [smem:$0x3FFD];
	_ =	sdelay $0x3  }
0x96: {  	_ =	strace s2  }
0x97: {  	_ =	strace $0x8FFFFFFF  }
0x98: {  	s18 =	sld [smem:$0x3FDB];
	_ =	sdelay $0x1  }
0x99: {  	s19 =	simm.s32 $_scs_section_size  }
0x9a: {  	s4 =	simm.s32 $_size__tile_overlayer_lowered;
	s5 =	simm.s32 $_tile_overlayer_lowered  }
0x9b: {  	s22 =	simm.s32 $0x1BFF;
	s21 =	sshll.u32 s5, $0x1;
	s2 =	sadd.s32 s19, s18  }
0x9c: {  	s6 =	simm.s32 $0x0;
	s20 =	sshll.u32 s4, $0x1;
	s4 =	sadd.s32 s21, s2  }
0x9d: {  	[timem:s6], [sflag:s22] =	dma.local [hbm:s4], s20  }
0x9e: {  	_ =	swait.ge [sflag:s22], s20  }
0x9f: {  	s3 =	ssub.s32 $0x0, s20;
	[sflag:s22] =	ssyncset.done $0x0  }
0xa0: {  	[sflag:s22] =	ssyncadd.s32 s3;
	_ =	sdelay $0x1  }
0xa1: {  	s23 =	simm.s32 $0x1B8B  }
0xa2: {  	_ =	swait.ge [sflag:s23], $0x1  }
0xa3: {  	[sflag:s23] =	ssyncset.done $0x0  }
0xa4: {  	s25 =	simm.s32 $0x1B8E;
	s24 =	sld [smem:$0x3FFE];
	[sflag:s23] =	ssyncadd.s32 $0xFFFFFFFF  }
0xa5: {  	s26 =	simm.s32 $execute0_lowered;
	[smem:$0x3FD2] =	sst s25  }
0xa6: {  	s4 =	sshll.u32 s26, $0x1;
	_ =	strace $0x80000046;
	[dreg:$0x1] =	wrdreg $0xFFFFFFFF  }
0xa7: {  	s28 =	simm.s32 $_size_execute0_lowered;
	s2 =	sadd.s32 s2, s4;
	[dreg:$0x0] =	wrdreg $0x0  }
0xa8: {  	s4 =	sshll.u32 s28, $0x1;
	[dreg:$0x2] =	wrdreg s2  }
0xa9: {  	[dreg:$0x3] =	wrdreg s4  }
0xaa: {  	[dreg:$0x4] =	wrdreg $0xC0  }
0xab: {  	_ =	task [dreg:s6], $0x5FFFF  }
0xac: {  	[dreg:$0x1] =	wrdreg $0xFFFFFFFF  }
0xad: {  	[dreg:$0x0] =	wrdreg $0x60  }
0xae: {  	[dreg:$0x2] =	wrdreg s24  }
0xaf: {  	[dreg:$0x3] =	wrdreg $0x9  }
0xb0: {  	_ =	task.clear_ibuf [dreg:s6], $0x4FFFF;
	_ =	strace $0x90000046  }
0xb1: {  	s29 =	simm.s32 $0x9;
	_ =	strace $0x80000048  }
0xb2: {  	_ =	swait.ge [sflag:s29], $0x1  }
0xb3: {  	[sflag:s29] =	ssyncadd.s32 $0xFFFFFFFF  }
0xb4: {  	_ =	strace $0x90000048  }
0xb5: {  	_ =	sfence  }
0xb6: {  	s30 =	sld [smem:$0x0];
	_ =	sdelay $0x2  }
0xb7: {  	s31 =	sshll.u32 s1, $0xD;
	s1 =	sshrl.u32 s1, $0x2  }
0xb8: {  	s3 =	sand.u32 $0x4000, s31;
	s1 =	sadd.s32 s1, s30  }
0xb9: {  	s0 =	sor.u32 s3, s0;
	s1 =	sshll.u32 s1, $0x11  }
0xba: {  	s0 =	sor.u32 s1, s0  }
0xbb: {  	s0 =	sadd.s32 $0x8F2B, s0  }
0xbc: {  	[sflag:s0] =	ssyncadd.remote.s32 $0x1  }
0xbd: {  	_ =	sfence.sel $0xFFFF  }
0xbe: {  	[dreg:$0x0] =	wrdreg $0xFFFFFFFF;
	(pc) =	sbr.abs _section_cstart, $3  }
0xbf: {  	[dreg:$0x1] =	wrdreg $0xFFFFFFFF  }
0xc0: {  	_ =	task.clear_ibuf [dreg:s6], $0x2FFFF;
	_ =	strace $0x9FFFFFFF  }
0xc1: {  	(tm) =	ssettm $0x7FFFFFFF  }
tec
execute0_lowered:
.L_overlay_start_1:
0x0: {  	(tag) =	ssettag $0x1  }
0x1: {  	s4 =	rddreg [dreg:$0x0]  }
0x2: {  	s0 =	rddreg [dreg:$0x1];
	s2 =	simm.s32 $0x0  }
0x3: {  	s3 =	srdreg.scid;
	s1 =	stileid.u32;
	s10 =	simm.s32 $0x1400  }
0x4: {  	s11 =	simm.s32 $0x100;
	s12 =	simm.s32 $0x2400;
	s13 =	simm.s32 $0x180  }
0x5: {  	s14 =	simm.s32 $0x3400;
	s15 =	simm.s32 $0x200;
	s16 =	simm.s32 $0x4400  }
0x6: {  	s17 =	simm.s32 $0x280;
	s18 =	simm.s32 $0x5400;
	s19 =	simm.s32 $0x300  }
0x7: {  	s20 =	simm.s32 $0x6400;
	s21 =	simm.s32 $0x380;
	s22 =	simm.s32 $0x7400  }
0x8: {  	s23 =	simm.s32 $0x1;
	s24 =	simm.s32 $0x0;
	s6 =	smul.u32 $0x6800, s1  }
0x9: {  	[smem:$0x7FF] =	sst s2;
	s5 =	sand.u32 $0x1, s3;
	s8 =	smul.u32 $0x1A000, s1  }
0xa: {  	s3 =	sadd.s32 $0x27AE200, s4;
	s7 =	smul.u32 $0x3400, s5;
	s30 =	ssub.s32 $0x2, s5  }
0xb: {  	_ =	strace $0x80000047;
	s5 =	smul.u32 $0xD000, s5;
	s9 =	sshrl.u32 s30, $0x1  }
0xc: {  	s8 =	sadd.s32 s8, s4;
	s6 =	sadd.s32 s7, s6;
	s31 =	ssub.s32 s30, s9  }
0xd: {  	s5 =	sadd.s32 s5, s8;
	s7 =	simm.s32 $0x2;
	s6 =	sshrl.u32 s6, $0x3  }
0xe: {  	s8 =	simm.s32 $0x80;
	s9 =	simm.s32 $0x400;
	s6 =	sadd.s32 s6, s4  }
0xf: {  	s5 =	sadd.s32 $0xEE00, s5;
	s4 =	smax.u32 s31, $0x1;
	s6 =	sadd.s32 $0x1E00, s6  }
.LBB2_1:
0x10: {  	s25 =	sadd.s32 $0x0, s6  }
0x11: {  	[tilespmem:s2], [sflag:$0x2] =	stream.linear.gather [hbm4b:s25+s2], $0x400, $0x38;
	[tilespmem:$0x8400] =	vst v63  }
0x12: {  	_ =	swait.ge [sflag:s7], $0x400  }
0x13: {  	[sflag:s7] =	ssyncset.done $0x0  }
0x14: {  	[sflag:s7] =	ssyncadd.s32 $0xFFFFFC00  }
0x15: {  	[tilespmem:s9], [sflag:$0x1] =	stream.indirect.gather [hbm4b:s3+s8], $0x20, s2, s8, $0xb8;
	[tilespmem:$0x8400] =	vst v63  }
0x16: {  	_ = 	snop  }
0x17: {  	[tilespmem:s10], [sflag:$0x1] =	stream.indirect.gather [hbm4b:s3+s8], $0x20, s8, s8, $0xb8;
	[tilespmem:$0x8400] =	vst v63  }
0x18: {  	_ = 	snop  }
0x19: {  	[tilespmem:s12], [sflag:$0x1] =	stream.indirect.gather [hbm4b:s3+s8], $0x20, s11, s8, $0xb8;
	[tilespmem:$0x8400] =	vst v63  }
0x1a: {  	_ = 	snop  }
0x1b: {  	[tilespmem:s14], [sflag:$0x1] =	stream.indirect.gather [hbm4b:s3+s8], $0x20, s13, s8, $0xb8;
	[tilespmem:$0x8400] =	vst v63  }
0x1c: {  	_ = 	snop  }
0x1d: {  	[tilespmem:s16], [sflag:$0x1] =	stream.indirect.gather [hbm4b:s3+s8], $0x20, s15, s8, $0xb8;
	[tilespmem:$0x8400] =	vst v63  }
0x1e: {  	_ = 	snop  }
0x1f: {  	[tilespmem:s18], [sflag:$0x1] =	stream.indirect.gather [hbm4b:s3+s8], $0x20, s17, s8, $0xb8;
	[tilespmem:$0x8400] =	vst v63  }
0x20: {  	_ = 	snop  }
0x21: {  	[tilespmem:s20], [sflag:$0x1] =	stream.indirect.gather [hbm4b:s3+s8], $0x20, s19, s8, $0xb8;
	[tilespmem:$0x8400] =	vst v63  }
0x22: {  	_ = 	snop  }
0x23: {  	[tilespmem:s22], [sflag:$0x1] =	stream.indirect.gather [hbm4b:s3+s8], $0x20, s21, s8, $0xb8;
	[tilespmem:$0x8400] =	vst v63  }
0x24: {  	_ =	swait.ge [sflag:s23], $0x1000  }
0x25: {  	[sflag:s23] =	ssyncset.done $0x0  }
0x26: {  	[sflag:s23] =	ssyncadd.s32 $0xFFFFF000  }
0x27: {  	_ =	swait.ge [sflag:s23], $0x1000  }
0x28: {  	[sflag:s23] =	ssyncset.done $0x0  }
0x29: {  	[sflag:s23] =	ssyncadd.s32 $0xFFFFF000  }
0x2a: {  	_ =	swait.ge [sflag:s23], $0x1000  }
0x2b: {  	[sflag:s23] =	ssyncset.done $0x0  }
0x2c: {  	[sflag:s23] =	ssyncadd.s32 $0xFFFFF000  }
0x2d: {  	_ =	swait.ge [sflag:s23], $0x1000  }
0x2e: {  	[sflag:s23] =	ssyncset.done $0x0  }
0x2f: {  	[sflag:s23] =	ssyncadd.s32 $0xFFFFF000  }
0x30: {  	_ =	swait.ge [sflag:s23], $0x1000  }
0x31: {  	[sflag:s23] =	ssyncset.done $0x0  }
0x32: {  	[sflag:s23] =	ssyncadd.s32 $0xFFFFF000  }
0x33: {  	_ =	swait.ge [sflag:s23], $0x1000  }
0x34: {  	[sflag:s23] =	ssyncset.done $0x0  }
0x35: {  	[sflag:s23] =	ssyncadd.s32 $0xFFFFF000  }
0x36: {  	_ =	swait.ge [sflag:s23], $0x1000  }
0x37: {  	[sflag:s23] =	ssyncset.done $0x0  }
0x38: {  	[sflag:s23] =	ssyncadd.s32 $0xFFFFF000  }
0x39: {  	_ =	swait.ge [sflag:s23], $0x1000  }
0x3a: {  	[sflag:s23] =	ssyncset.done $0x0  }
0x3b: {  	[sflag:s23] =	ssyncadd.s32 $0xFFFFF000  }
0x3c: {  	[hbm4b:s5+s2] =	stream.linear.scatter [tilespmem:s9], [sflag:$0x2], $0x8000, $0x38;
	[tilespmem:$0x8400] =	vst v63  }
0x3d: {  	s26 =	simm.s32 $0x80;
	_ =	swait.ge [sflag:s7], $0x8000  }
0x3e: {  	s29 =	simm.s32 $0x100;
	s25 =	sadd.s32 $0x1000, s5;
	[sflag:s7] =	ssyncset.done $0x0  }
.LBB2_2:
0x3f: {  	s30 =	sadd.s32 s26, s6  }
0x40: {  	[sflag:s7] =	ssyncadd.s32 $0xFFFF8000;
	s26 =	smov.u32 s29;
	s28 =	sadd.s32 $0x80, s29  }
0x41: {  	[tilespmem:s2], [sflag:$0x2] =	stream.linear.gather [hbm4b:s30+s2], $0x400, $0x38;
	[tilespmem:$0x8400] =	vst v63  }
0x42: {  	p0 =	sne.s32 s29, $0x600;
	_ =	swait.ge [sflag:s7], $0x400  }
0x43: {  	[sflag:s7] =	ssyncset.done $0x0  }
0x44: {  	[sflag:s7] =	ssyncadd.s32 $0xFFFFFC00  }
0x45: {  	[tilespmem:s9], [sflag:$0x1] =	stream.indirect.gather [hbm4b:s3+s8], $0x20, s2, s8, $0xb8;
	[tilespmem:$0x8400] =	vst v63  }
0x46: {  	_ = 	snop  }
0x47: {  	[tilespmem:s10], [sflag:$0x1] =	stream.indirect.gather [hbm4b:s3+s8], $0x20, s8, s8, $0xb8;
	[tilespmem:$0x8400] =	vst v63  }
0x48: {  	_ = 	snop  }
0x49: {  	[tilespmem:s12], [sflag:$0x1] =	stream.indirect.gather [hbm4b:s3+s8], $0x20, s11, s8, $0xb8;
	[tilespmem:$0x8400] =	vst v63  }
0x4a: {  	_ = 	snop  }
0x4b: {  	[tilespmem:s14], [sflag:$0x1] =	stream.indirect.gather [hbm4b:s3+s8], $0x20, s13, s8, $0xb8;
	[tilespmem:$0x8400] =	vst v63  }
0x4c: {  	_ = 	snop  }
0x4d: {  	[tilespmem:s16], [sflag:$0x1] =	stream.indirect.gather [hbm4b:s3+s8], $0x20, s15, s8, $0xb8;
	[tilespmem:$0x8400] =	vst v63  }
0x4e: {  	_ = 	snop  }
0x4f: {  	[tilespmem:s18], [sflag:$0x1] =	stream.indirect.gather [hbm4b:s3+s8], $0x20, s17, s8, $0xb8;
	[tilespmem:$0x8400] =	vst v63  }
0x50: {  	_ = 	snop  }
0x51: {  	[tilespmem:s20], [sflag:$0x1] =	stream.indirect.gather [hbm4b:s3+s8], $0x20, s19, s8, $0xb8;
	[tilespmem:$0x8400] =	vst v63  }
0x52: {  	_ = 	snop  }
0x53: {  	[tilespmem:s22], [sflag:$0x1] =	stream.indirect.gather [hbm4b:s3+s8], $0x20, s21, s8, $0xb8;
	[tilespmem:$0x8400] =	vst v63  }
0x54: {  	_ =	swait.ge [sflag:s23], $0x1000  }
0x55: {  	[sflag:s23] =	ssyncset.done $0x0  }
0x56: {  	[sflag:s23] =	ssyncadd.s32 $0xFFFFF000  }
0x57: {  	_ =	swait.ge [sflag:s23], $0x1000  }
0x58: {  	[sflag:s23] =	ssyncset.done $0x0  }
0x59: {  	[sflag:s23] =	ssyncadd.s32 $0xFFFFF000  }
0x5a: {  	_ =	swait.ge [sflag:s23], $0x1000  }
0x5b: {  	[sflag:s23] =	ssyncset.done $0x0  }
0x5c: {  	[sflag:s23] =	ssyncadd.s32 $0xFFFFF000  }
0x5d: {  	_ =	swait.ge [sflag:s23], $0x1000  }
0x5e: {  	[sflag:s23] =	ssyncset.done $0x0  }
0x5f: {  	[sflag:s23] =	ssyncadd.s32 $0xFFFFF000  }
0x60: {  	_ =	swait.ge [sflag:s23], $0x1000  }
0x61: {  	[sflag:s23] =	ssyncset.done $0x0  }
0x62: {  	[sflag:s23] =	ssyncadd.s32 $0xFFFFF000  }
0x63: {  	_ =	swait.ge [sflag:s23], $0x1000  }
0x64: {  	[sflag:s23] =	ssyncset.done $0x0  }
0x65: {  	[sflag:s23] =	ssyncadd.s32 $0xFFFFF000  }
0x66: {  	_ =	swait.ge [sflag:s23], $0x1000  }
0x67: {  	[sflag:s23] =	ssyncset.done $0x0  }
0x68: {  	[sflag:s23] =	ssyncadd.s32 $0xFFFFF000  }
0x69: {  	_ =	swait.ge [sflag:s23], $0x1000  }
.Ltmp0:
0x6a: {  	[sflag:s23] =	ssyncset.done $0x0;
	(pc) =	sbr.rel @p0 .LBB2_2-.Ltmp0, $4  }
0x6b: {  	[sflag:s23] =	ssyncadd.s32 $0xFFFFF000  }
0x6c: {  	[hbm4b:s25+s2] =	stream.linear.scatter [tilespmem:s9], [sflag:$0x2], $0x8000, $0x38;
	[tilespmem:$0x8400] =	vst v63  }
0x6d: {  	_ =	swait.ge [sflag:s7], $0x8000  }
0x6e: {  	s29 =	smov.u32 s28;
	s25 =	sadd.s32 $0x1000, s25;
	[sflag:s7] =	ssyncset.done $0x0  }
0x6f: {  	s26 =	sadd.s32 s26, s6;
	[sflag:s7] =	ssyncadd.s32 $0xFFFF8000  }
0x70: {  	[tilespmem:s2], [sflag:$0x2] =	stream.linear.gather [hbm4b:s26+s2], $0x400, $0x38;
	[tilespmem:$0x8400] =	vst v63  }
0x71: {  	_ =	swait.ge [sflag:s7], $0x400  }
0x72: {  	[sflag:s7] =	ssyncset.done $0x0  }
0x73: {  	[sflag:s7] =	ssyncadd.s32 $0xFFFFFC00  }
0x74: {  	[tilespmem:s9], [sflag:$0x1] =	stream.indirect.gather [hbm4b:s3+s8], $0x20, s2, s8, $0xb8;
	[tilespmem:$0x8400] =	vst v63  }
0x75: {  	_ = 	snop  }
0x76: {  	[tilespmem:s10], [sflag:$0x1] =	stream.indirect.gather [hbm4b:s3+s8], $0x20, s8, s8, $0xb8;
	[tilespmem:$0x8400] =	vst v63  }
0x77: {  	_ = 	snop  }
0x78: {  	[tilespmem:s12], [sflag:$0x1] =	stream.indirect.gather [hbm4b:s3+s8], $0x20, s11, s8, $0xb8;
	[tilespmem:$0x8400] =	vst v63  }
0x79: {  	_ = 	snop  }
0x7a: {  	[tilespmem:s14], [sflag:$0x1] =	stream.indirect.gather [hbm4b:s3+s8], $0x20, s13, s8, $0xb8;
	[tilespmem:$0x8400] =	vst v63  }
0x7b: {  	_ = 	snop  }
0x7c: {  	[tilespmem:s16], [sflag:$0x1] =	stream.indirect.gather [hbm4b:s3+s8], $0x20, s15, s8, $0xb8;
	[tilespmem:$0x8400] =	vst v63  }
0x7d: {  	_ = 	snop  }
0x7e: {  	[tilespmem:s18], [sflag:$0x1] =	stream.indirect.gather [hbm4b:s3+s8], $0x20, s17, s8, $0xb8;
	[tilespmem:$0x8400] =	vst v63  }
0x7f: {  	_ = 	snop  }
0x80: {  	[tilespmem:s20], [sflag:$0x1] =	stream.indirect.gather [hbm4b:s3+s8], $0x20, s19, s8, $0xb8;
	[tilespmem:$0x8400] =	vst v63  }
0x81: {  	_ = 	snop  }
0x82: {  	[tilespmem:s22], [sflag:$0x1] =	stream.indirect.gather [hbm4b:s3+s8], $0x20, s21, s8, $0xb8;
	[tilespmem:$0x8400] =	vst v63  }
0x83: {  	_ =	swait.ge [sflag:s23], $0x1000  }
0x84: {  	[sflag:s23] =	ssyncset.done $0x0  }
0x85: {  	[sflag:s23] =	ssyncadd.s32 $0xFFFFF000  }
0x86: {  	_ =	swait.ge [sflag:s23], $0x1000  }
0x87: {  	[sflag:s23] =	ssyncset.done $0x0  }
0x88: {  	[sflag:s23] =	ssyncadd.s32 $0xFFFFF000  }
0x89: {  	_ =	swait.ge [sflag:s23], $0x1000  }
0x8a: {  	[sflag:s23] =	ssyncset.done $0x0  }
0x8b: {  	[sflag:s23] =	ssyncadd.s32 $0xFFFFF000  }
0x8c: {  	_ =	swait.ge [sflag:s23], $0x1000  }
0x8d: {  	[sflag:s23] =	ssyncset.done $0x0  }
0x8e: {  	[sflag:s23] =	ssyncadd.s32 $0xFFFFF000  }
0x8f: {  	_ =	swait.ge [sflag:s23], $0x1000  }
0x90: {  	[sflag:s23] =	ssyncset.done $0x0  }
0x91: {  	[sflag:s23] =	ssyncadd.s32 $0xFFFFF000  }
0x92: {  	_ =	swait.ge [sflag:s23], $0x1000  }
0x93: {  	[sflag:s23] =	ssyncset.done $0x0  }
0x94: {  	[sflag:s23] =	ssyncadd.s32 $0xFFFFF000  }
0x95: {  	_ =	swait.ge [sflag:s23], $0x1000  }
0x96: {  	[sflag:s23] =	ssyncset.done $0x0  }
0x97: {  	[sflag:s23] =	ssyncadd.s32 $0xFFFFF000  }
0x98: {  	s24 =	sadd.s32 $0x1, s24;
	_ =	swait.ge [sflag:s23], $0x1000  }
0x99: {  	p0 =	sne.s32 s24, s4;
	[sflag:s23] =	ssyncset.done $0x0  }
.Ltmp1:
0x9a: {  	[sflag:s23] =	ssyncadd.s32 $0xFFFFF000;
	(pc) =	sbr.rel @p0 .LBB2_1-.Ltmp1, $4  }
0x9b: {  	[hbm4b:s25+s2] =	stream.linear.scatter [tilespmem:s9], [sflag:$0x2], $0x8000, $0x38;
	[tilespmem:$0x8400] =	vst v63  }
0x9c: {  	_ =	swait.ge [sflag:s7], $0x8000  }
0x9d: {  	[sflag:s7] =	ssyncset.done $0x0  }
0x9e: {  	[sflag:s7] =	ssyncadd.s32 $0xFFFF8000  }
0x9f: {  	_ =	sfence.sel $0x180000  }
0xa0: {  	[bflag:$0x0] =	sbarrier.arrive $0xFFFF  }
0xa1: {  	p0 =	sne.s32 s1, $0x0;
	_ =	strace $0x90000047  }
0xa2: {  	s0 =	sadd.s32 @!p0 $0x100000, s0;
	[bflag:$0x2] =	sbarrier.arrive $0xFFFF  }
0xa3: {  	[sflag:s0] =	ssyncadd.tile.s32 @!p0 $0x1;
	_ =	shalt  }
.Lfunc_end2:
_tile_overlayer_lowered:
.L_overlay_start_2:
0xa4: {  	(tag) =	ssettag $0x2  }
0xa5: {  	s0 =	rddreg [dreg:$0x0];
	s2 =	stileid.u32  }
0xa6: {  	s1 =	rddreg [dreg:$0x1];
	p0 =	sne.s32 s2, $0x0  }
0xa7: {  	s3 =	rddreg [dreg:$0x2];
	[bflag:$0x3] =	sbarrier.arrive $0xFFFF;
	s2 =	simm.s32 @!p0 $0x1C02  }
0xa8: {  	[timem:s3], [sflag:s2] =	dma.local @!p0 [hbm:s0], s1  }
0xa9: {  	s0 =	simm.s32 @!p0 $0x2  }
0xaa: {  	_ =	swait.ge @!p0 [sflag:s0], s1  }
0xab: {  	s1 =	ssub.s32 @!p0 $0x0, s1;
	[sflag:s0] =	ssyncset.done @!p0 $0x0  }
0xac: {  	[sflag:s0] =	ssyncadd.s32 @!p0 s1  }
0xad: {  	[bflag:$0x3] =	sbarrier.arrive $0xFFFF  }
0xae: {  	_ =	shalt  }

</sc_bundles>
